<compile_context>
chip_gen: v7x
topology: tpu7x:2x2x1
jax: 0.10.2.dev20260603
libtpu: 0.0.44.dev20260713+nightly
codegen_flags: <defaults>
</compile_context>

<pallas_src>
import functools

import jax
import jax.numpy as jnp
from jax import lax
from jax.experimental import pallas as pl
from jax.experimental.pallas import tpu as pltpu
from jax.experimental.pallas import tpu_sc as plsc

VOCAB = 1000000
EMB = 64
NUM_CLASS = 1000
B = 4096
L = 200

NC = 2
NS = 16
NW = NC * NS
BPW = B // NW
CHUNKS = ((0, 104), (104, 96))


def _pool_body(idx_hbm, table_hbm, out_hbm, idx_v, rows0, rows1, out_v,
               sem0, sem1):
    c = lax.axis_index("c")
    s = lax.axis_index("s")
    wid = s * NC + c
    base = wid * BPW

    pltpu.sync_copy(idx_hbm.at[pl.ds(base, BPW)], idx_v)

    def issue(i, buf, sem):
        for off, sz in CHUNKS:
            pltpu.async_copy(
                table_hbm.at[idx_v.at[i, pl.ds(off, sz)]],
                buf.at[pl.ds(off, sz)],
                sem,
            )

    def drain(buf, sem):
        pltpu.make_async_copy(table_hbm.at[pl.ds(0, L)], buf, sem).wait()

    def acc_row(i, buf):
        def acc_body(j4, accs):
            j = j4 * 4
            for u in range(4):
                accs = tuple(accs[k] + buf[j + u, pl.ds(16 * k, 16)]
                             for k in range(4))
            return accs

        accs = (jnp.zeros((16,), jnp.float32),) * 4
        accs = lax.fori_loop(0, L // 4, acc_body, accs)
        for k in range(4):
            out_v[i, pl.ds(16 * k, 16)] = accs[k]

    issue(0, rows0, sem0)

    def pair_body(i2, carry):
        b0 = 2 * i2
        b1 = b0 + 1
        issue(b1, rows1, sem1)
        drain(rows0, sem0)
        acc_row(b0, rows0)
        issue(jnp.minimum(b0 + 2, BPW - 1), rows0, sem0)
        drain(rows1, sem1)
        acc_row(b1, rows1)
        return carry

    lax.fori_loop(0, BPW // 2, pair_body, 0)
    drain(rows0, sem0)
    pltpu.sync_copy(out_v, out_hbm.at[pl.ds(base, BPW)])


def _make_pool():
    mesh = plsc.VectorSubcoreMesh(core_axis_name="c", subcore_axis_name="s")
    return pl.kernel(
        _pool_body,
        out_type=jax.ShapeDtypeStruct((B, EMB), jnp.float32),
        mesh=mesh,
        scratch_types=[
            pltpu.VMEM((BPW, L), jnp.int32),
            pltpu.VMEM((L, EMB), jnp.float32),
            pltpu.VMEM((L, EMB), jnp.float32),
            pltpu.VMEM((BPW, EMB), jnp.float32),
            pltpu.SemaphoreType.DMA,
            pltpu.SemaphoreType.DMA,
        ],
        compiler_params=pltpu.CompilerParams(use_tc_tiling_on_sc=False),
    )


PACK_BN = 16384


def _pack_body(t_ref, o_ref):
    x = t_ref[...]
    eye = (lax.broadcasted_iota(jnp.int32, (EMB, EMB), 0)
           == lax.broadcasted_iota(jnp.int32, (EMB, EMB), 1)
           ).astype(jnp.float32)
    xt = lax.dot_general(x, eye, (((0,), (0,)), ((), ())),
                         preferred_element_type=jnp.float32)
    o_ref[:, :EMB] = xt


def _make_pack():
    grid = (VOCAB + PACK_BN - 1) // PACK_BN
    return pl.pallas_call(
        _pack_body,
        grid=(grid,),
        in_specs=[pl.BlockSpec((EMB, PACK_BN), lambda i: (0, i))],
        out_specs=pl.BlockSpec((PACK_BN, 128), lambda i: (i, 0)),
        out_shape=jax.ShapeDtypeStruct((VOCAB, 128), jnp.float32),
    )


def _mm_body(x_ref, w_ref, b_ref, o_ref):
    x = x_ref[...] * jnp.float32(1.0 / L)
    o_ref[...] = (
        lax.dot_general(w_ref[...], x, (((0,), (1,)), ((), ())),
                        preferred_element_type=jnp.float32)
        + b_ref[...]
    )


def _make_mm(bm):
    return pl.pallas_call(
        _mm_body,
        grid=(B // bm,),
        in_specs=[
            pl.BlockSpec((bm, EMB), lambda i: (i, 0)),
            pl.BlockSpec((EMB, NUM_CLASS), lambda i: (0, 0)),
            pl.BlockSpec((NUM_CLASS, 1), lambda i: (0, 0)),
        ],
        out_specs=pl.BlockSpec((NUM_CLASS, bm), lambda i: (0, i)),
        out_shape=jax.ShapeDtypeStruct((NUM_CLASS, B), jnp.float32),
    )


def kernel(input, table, W, b):
    idx = input.astype(jnp.int32) * 2
    t2 = _make_pack()(table.T)
    t_lin = jnp.reshape(t2, (2 * VOCAB, EMB))
    pooled = _make_pool()(idx, t_lin)
    logits_t = _make_mm(512)(pooled, W, b.reshape(NUM_CLASS, 1))
    return logits_t.T

# --- scband reference (transcript-rebuilt; emitter-appended) ---
"""Pipeline reference for scband-fasttextpy-89618787598819 (READ-ONLY COPY).

The authoritative reference and input builder live on the scoring server;
editing this copy changes nothing except your own understanding.
"""

import jax, jax.numpy as jnp
import numpy as np

VOCAB = 1000000
EMB = 64
NUM_CLASS = 1000
B = 4096
L = 200

def setup_inputs(seed: int = 0) -> dict:
    key = jax.random.key(seed)
    k1, k2, k3, k4 = jax.random.split(key, 4)
    inp = jax.random.randint(k1, (B, L), 0, VOCAB, dtype=jnp.int64 if jax.config.jax_enable_x64 else jnp.int32)
    table = jax.random.normal(k2, (VOCAB, EMB), dtype=jnp.float32) * 0.02
    W = jax.random.normal(k3, (EMB, NUM_CLASS), dtype=jnp.float32) * 0.02
    b = jnp.zeros((NUM_CLASS,), dtype=jnp.float32)
    return {"input": inp, "table": table, "W": W, "b": b}

def reference(input, table, W, b):
    # embedding lookup (gather)
    embeded = jnp.take(table, input, axis=0)  # [B, L, EMB]
    # mean over sequence dim
    text_embeded = jnp.mean(embeded, axis=1)  # [B, EMB]
    # linear layer
    logits = text_embeded @ W + b  # [B, NUM_CLASS]
    return logits

if __name__ == "__main__":
    import jax
    _d = setup_inputs()
    print(jax.jit(kernel)(*tuple(_d.values())))

</pallas_src>

<mosaic_0001>
#map = affine_map<(d0, d1) -> (0, 0)>
module attributes {stable_mosaic.version = 14 : i64} {
  func.func @_pool_body(%arg0: i32, %arg1: i32, %arg2: memref<4096x200xi32, #tpu.memory_space<hbm>>, %arg3: memref<2000000x64xf32, #tpu.memory_space<hbm>>, %arg4: memref<4096x64xf32, #tpu.memory_space<hbm>>, %arg5: memref<128x200xi32, #tpu.memory_space<vmem>>, %arg6: memref<200x64xf32, #tpu.memory_space<vmem>>, %arg7: memref<200x64xf32, #tpu.memory_space<vmem>>, %arg8: memref<128x64xf32, #tpu.memory_space<vmem>>, %arg9: memref<!tpu.dma_semaphore, #tpu.memory_space<semaphore_mem>>, %arg10: memref<!tpu.dma_semaphore, #tpu.memory_space<semaphore_mem>>) attributes {dimension_semantics = [#tpu.dimension_semantics<core_parallel>, #tpu.dimension_semantics<subcore_parallel>], iteration_bounds = array<i64: 2, 16>, scalar_prefetch = 0 : i64, scratch_operands = 6 : i64, tpu.core_type = #tpu.core_type<sc_vector_subcore>, window_params = [{transform_indices = #map}, {transform_indices = #map}, {transform_indices = #map}]} {
    %mul3A = arith.constant 2 : i32
    %mul3A_0 = arith.muli %arg1, %mul3A : i32
    %add3A = arith.addi %mul3A_0, %arg0 : i32
    %mul3A_1 = arith.constant 128 : i32
    %mul3A_2 = arith.muli %add3A, %mul3A_1 : i32
    "tpu.region"() ({
      %run_scoped3A = tpu.sem_alloc : memref<!tpu.dma_semaphore, #tpu.memory_space<semaphore_mem>>
      %dma_start3A_32 = arith.constant 0 : i32
      %dma_start3A_33 = tpu.memref_slice %arg2[%mul3A_2, %dma_start3A_32] : memref<4096x200xi32, #tpu.memory_space<hbm>> -> memref<128x200xi32, #tpu.memory_space<hbm>>
      %dma_start3A_34 = arith.constant 0 : i32
      %dma_start3A_35 = tpu.memref_slice %arg2[%mul3A_2, %dma_start3A_34] : memref<4096x200xi32, #tpu.memory_space<hbm>> -> memref<128x200xi32, #tpu.memory_space<hbm>>
      tpu.enqueue_dma source(%dma_start3A_35 : memref<128x200xi32, #tpu.memory_space<hbm>>) target(%arg5 : memref<128x200xi32, #tpu.memory_space<vmem>>) target_semaphore(%run_scoped3A : memref<!tpu.dma_semaphore, #tpu.memory_space<semaphore_mem>>)
      %dma_wait3A_36 = arith.constant 0 : i32
      %dma_wait3A_37 = tpu.memref_slice %arg2[%mul3A_2, %dma_wait3A_36] : memref<4096x200xi32, #tpu.memory_space<hbm>> -> memref<128x200xi32, #tpu.memory_space<hbm>>
      %dma_wait3A_38 = arith.constant 0 : i32
      %dma_wait3A_39 = tpu.memref_slice %arg2[%mul3A_2, %dma_wait3A_38] : memref<4096x200xi32, #tpu.memory_space<hbm>> -> memref<128x200xi32, #tpu.memory_space<hbm>>
      tpu.wait_dma2 semaphore(%run_scoped3A : memref<!tpu.dma_semaphore, #tpu.memory_space<semaphore_mem>>) src(%dma_wait3A_39 : memref<128x200xi32, #tpu.memory_space<hbm>>) dst(%arg5 : memref<128x200xi32, #tpu.memory_space<vmem>>)
      tpu.yield
    }) : () -> ()
    %dma_start3A = arith.constant 0 : i32
    %dma_start3A_3 = arith.constant 0 : i32
    %dma_start3A_4 = arith.constant 0 : i32
    %dma_start3A_5 = tpu.memref_slice %arg6[%dma_start3A_3, %dma_start3A_4] : memref<200x64xf32, #tpu.memory_space<vmem>> -> memref<104x64xf32, #tpu.memory_space<vmem>>
    %dma_start3A_6 = arith.constant 0 : i32
    %dma_start3A_7 = tpu.memref_slice %arg5[%dma_start3A, %dma_start3A_6] : memref<128x200xi32, #tpu.memory_space<vmem>> -> memref<1x104xi32, #tpu.memory_space<vmem>>
    %dma_start3A_8 = tpu.memref_squeeze %dma_start3A_7 : memref<1x104xi32, #tpu.memory_space<vmem>> -> memref<104xi32, #tpu.memory_space<vmem>>
    %dma_start3A_9 = arith.constant 0 : i32
    %dma_start3A_10 = arith.constant 0 : i32
    %dma_start3A_11 = tpu.memref_slice %arg3[%dma_start3A_9, %dma_start3A_10] : memref<2000000x64xf32, #tpu.memory_space<hbm>> -> memref<2000000x64xf32, #tpu.memory_space<hbm>>
    tpu.enqueue_indirect_dma source(%dma_start3A_11 : memref<2000000x64xf32, #tpu.memory_space<hbm>>) target(%dma_start3A_5 : memref<104x64xf32, #tpu.memory_space<vmem>>) offsets(%dma_start3A_8 : memref<104xi32, #tpu.memory_space<vmem>>) semaphore(%arg9 : memref<!tpu.dma_semaphore, #tpu.memory_space<semaphore_mem>>)
    %dma_start3A_12 = arith.constant 0 : i32
    %dma_start3A_13 = arith.constant 104 : i32
    %dma_start3A_14 = arith.constant 0 : i32
    %dma_start3A_15 = tpu.memref_slice %arg6[%dma_start3A_13, %dma_start3A_14] : memref<200x64xf32, #tpu.memory_space<vmem>> -> memref<96x64xf32, #tpu.memory_space<vmem>>
    %dma_start3A_16 = arith.constant 104 : i32
    %dma_start3A_17 = tpu.memref_slice %arg5[%dma_start3A_12, %dma_start3A_16] : memref<128x200xi32, #tpu.memory_space<vmem>> -> memref<1x96xi32, #tpu.memory_space<vmem>>
    %dma_start3A_18 = tpu.memref_squeeze %dma_start3A_17 : memref<1x96xi32, #tpu.memory_space<vmem>> -> memref<96xi32, #tpu.memory_space<vmem>>
    %dma_start3A_19 = arith.constant 0 : i32
    %dma_start3A_20 = arith.constant 0 : i32
    %dma_start3A_21 = tpu.memref_slice %arg3[%dma_start3A_19, %dma_start3A_20] : memref<2000000x64xf32, #tpu.memory_space<hbm>> -> memref<2000000x64xf32, #tpu.memory_space<hbm>>
    tpu.enqueue_indirect_dma source(%dma_start3A_21 : memref<2000000x64xf32, #tpu.memory_space<hbm>>) target(%dma_start3A_15 : memref<96x64xf32, #tpu.memory_space<vmem>>) offsets(%dma_start3A_18 : memref<96xi32, #tpu.memory_space<vmem>>) semaphore(%arg9 : memref<!tpu.dma_semaphore, #tpu.memory_space<semaphore_mem>>)
    %scan3A = arith.constant 0 : i32
    %scan3A_22 = arith.constant 0 : i32
    %scan3A_23 = arith.constant 64 : i32
    %scan3A_24 = arith.addi %scan3A_22, %scan3A_23 : i32
    %scan3A_25 = arith.constant 1 : i32
    scf.for %scan3A_32 = %scan3A_22 to %scan3A_24 step %scan3A_25  : i32 {
      %mul3A_33 = arith.constant 2 : i32
      %mul3A_34 = arith.muli %mul3A_33, %scan3A_32 : i32
      %add3A_35 = arith.constant 1 : i32
      %add3A_36 = arith.addi %mul3A_34, %add3A_35 : i32
      %dma_start3A_37 = arith.constant 0 : i32
      %dma_start3A_38 = arith.constant 0 : i32
      %dma_start3A_39 = tpu.memref_slice %arg7[%dma_start3A_37, %dma_start3A_38] : memref<200x64xf32, #tpu.memory_space<vmem>> -> memref<104x64xf32, #tpu.memory_space<vmem>>
      %dma_start3A_40 = arith.constant 0 : i32
      %dma_start3A_41 = tpu.memref_slice %arg5[%add3A_36, %dma_start3A_40] : memref<128x200xi32, #tpu.memory_space<vmem>> -> memref<1x104xi32, #tpu.memory_space<vmem>>
      %dma_start3A_42 = tpu.memref_squeeze %dma_start3A_41 : memref<1x104xi32, #tpu.memory_space<vmem>> -> memref<104xi32, #tpu.memory_space<vmem>>
      %dma_start3A_43 = arith.constant 0 : i32
      %dma_start3A_44 = arith.constant 0 : i32
      %dma_start3A_45 = tpu.memref_slice %arg3[%dma_start3A_43, %dma_start3A_44] : memref<2000000x64xf32, #tpu.memory_space<hbm>> -> memref<2000000x64xf32, #tpu.memory_space<hbm>>
      tpu.enqueue_indirect_dma source(%dma_start3A_45 : memref<2000000x64xf32, #tpu.memory_space<hbm>>) target(%dma_start3A_39 : memref<104x64xf32, #tpu.memory_space<vmem>>) offsets(%dma_start3A_42 : memref<104xi32, #tpu.memory_space<vmem>>) semaphore(%arg10 : memref<!tpu.dma_semaphore, #tpu.memory_space<semaphore_mem>>)
      %dma_start3A_46 = arith.constant 104 : i32
      %dma_start3A_47 = arith.constant 0 : i32
      %dma_start3A_48 = tpu.memref_slice %arg7[%dma_start3A_46, %dma_start3A_47] : memref<200x64xf32, #tpu.memory_space<vmem>> -> memref<96x64xf32, #tpu.memory_space<vmem>>
      %dma_start3A_49 = arith.constant 104 : i32
      %dma_start3A_50 = tpu.memref_slice %arg5[%add3A_36, %dma_start3A_49] : memref<128x200xi32, #tpu.memory_space<vmem>> -> memref<1x96xi32, #tpu.memory_space<vmem>>
      %dma_start3A_51 = tpu.memref_squeeze %dma_start3A_50 : memref<1x96xi32, #tpu.memory_space<vmem>> -> memref<96xi32, #tpu.memory_space<vmem>>
      %dma_start3A_52 = arith.constant 0 : i32
      %dma_start3A_53 = arith.constant 0 : i32
      %dma_start3A_54 = tpu.memref_slice %arg3[%dma_start3A_52, %dma_start3A_53] : memref<2000000x64xf32, #tpu.memory_space<hbm>> -> memref<2000000x64xf32, #tpu.memory_space<hbm>>
      tpu.enqueue_indirect_dma source(%dma_start3A_54 : memref<2000000x64xf32, #tpu.memory_space<hbm>>) target(%dma_start3A_48 : memref<96x64xf32, #tpu.memory_space<vmem>>) offsets(%dma_start3A_51 : memref<96xi32, #tpu.memory_space<vmem>>) semaphore(%arg10 : memref<!tpu.dma_semaphore, #tpu.memory_space<semaphore_mem>>)
      %dma_wait3A_55 = arith.constant 0 : i32
      %dma_wait3A_56 = arith.constant 0 : i32
      %dma_wait3A_57 = tpu.memref_slice %arg3[%dma_wait3A_55, %dma_wait3A_56] : memref<2000000x64xf32, #tpu.memory_space<hbm>> -> memref<200x64xf32, #tpu.memory_space<hbm>>
      %dma_wait3A_58 = arith.constant 0 : i32
      %dma_wait3A_59 = arith.constant 0 : i32
      %dma_wait3A_60 = tpu.memref_slice %arg3[%dma_wait3A_58, %dma_wait3A_59] : memref<2000000x64xf32, #tpu.memory_space<hbm>> -> memref<200x64xf32, #tpu.memory_space<hbm>>
      tpu.wait_dma2 semaphore(%arg9 : memref<!tpu.dma_semaphore, #tpu.memory_space<semaphore_mem>>) src(%dma_wait3A_60 : memref<200x64xf32, #tpu.memory_space<hbm>>) dst(%arg6 : memref<200x64xf32, #tpu.memory_space<vmem>>)
      %broadcast_in_dim3A = arith.constant 0.000000e+00 : f32
      %broadcast_in_dim3A_61 = vector.broadcast %broadcast_in_dim3A : f32 to vector<16xf32>
      %scan3A_62 = arith.constant 0 : i32
      %scan3A_63 = arith.constant 50 : i32
      %scan3A_64 = arith.addi %scan3A_62, %scan3A_63 : i32
      %scan3A_65 = arith.constant 1 : i32
      %scan3A_66:4 = scf.for %scan3A_142 = %scan3A_62 to %scan3A_64 step %scan3A_65 iter_args(%scan3A_143 = %broadcast_in_dim3A_61, %scan3A_144 = %broadcast_in_dim3A_61, %scan3A_145 = %broadcast_in_dim3A_61, %scan3A_146 = %broadcast_in_dim3A_61) -> (vector<16xf32>, vector<16xf32>, vector<16xf32>, vector<16xf32>)  : i32 {
        %mul3A_147 = arith.constant 4 : i32
        %mul3A_148 = arith.muli %scan3A_142, %mul3A_147 : i32
        %add3A_149 = arith.constant 0 : i32
        %add3A_150 = arith.addi %mul3A_148, %add3A_149 : i32
        %get3A = arith.index_cast %add3A_150 : i32 to index
        %get3A_151 = arith.constant 0 : index
        %get3A_152 = tpu.vector_load %arg6[%get3A, %get3A_151] {strides = array<i32>} : memref<200x64xf32, #tpu.memory_space<vmem>>, vector<1x16xf32>,
        %get3A_153 = vector.shape_cast %get3A_152 : vector<1x16xf32> to vector<16xf32>
        %add3A_154 = arith.addf %scan3A_143, %get3A_153 : vector<16xf32>
        %add3A_155 = arith.constant 0 : i32
        %add3A_156 = arith.addi %mul3A_148, %add3A_155 : i32
        %get3A_157 = arith.index_cast %add3A_156 : i32 to index
        %get3A_158 = arith.constant 16 : index
        %get3A_159 = tpu.vector_load %arg6[%get3A_157, %get3A_158] {strides = array<i32>} : memref<200x64xf32, #tpu.memory_space<vmem>>, vector<1x16xf32>,
        %get3A_160 = vector.shape_cast %get3A_159 : vector<1x16xf32> to vector<16xf32>
        %add3A_161 = arith.addf %scan3A_144, %get3A_160 : vector<16xf32>
        %add3A_162 = arith.constant 0 : i32
        %add3A_163 = arith.addi %mul3A_148, %add3A_162 : i32
        %get3A_164 = arith.index_cast %add3A_163 : i32 to index
        %get3A_165 = arith.constant 32 : index
        %get3A_166 = tpu.vector_load %arg6[%get3A_164, %get3A_165] {strides = array<i32>} : memref<200x64xf32, #tpu.memory_space<vmem>>, vector<1x16xf32>,
        %get3A_167 = vector.shape_cast %get3A_166 : vector<1x16xf32> to vector<16xf32>
        %add3A_168 = arith.addf %scan3A_145, %get3A_167 : vector<16xf32>
        %add3A_169 = arith.constant 0 : i32
        %add3A_170 = arith.addi %mul3A_148, %add3A_169 : i32
        %get3A_171 = arith.index_cast %add3A_170 : i32 to index
        %get3A_172 = arith.constant 48 : index
        %get3A_173 = tpu.vector_load %arg6[%get3A_171, %get3A_172] {strides = array<i32>} : memref<200x64xf32, #tpu.memory_space<vmem>>, vector<1x16xf32>,
        %get3A_174 = vector.shape_cast %get3A_173 : vector<1x16xf32> to vector<16xf32>
        %add3A_175 = arith.addf %scan3A_146, %get3A_174 : vector<16xf32>
        %add3A_176 = arith.constant 1 : i32
        %add3A_177 = arith.addi %mul3A_148, %add3A_176 : i32
        %get3A_178 = arith.index_cast %add3A_177 : i32 to index
        %get3A_179 = arith.constant 0 : index
        %get3A_180 = tpu.vector_load %arg6[%get3A_178, %get3A_179] {strides = array<i32>} : memref<200x64xf32, #tpu.memory_space<vmem>>, vector<1x16xf32>,
        %get3A_181 = vector.shape_cast %get3A_180 : vector<1x16xf32> to vector<16xf32>
        %add3A_182 = arith.addf %add3A_154, %get3A_181 : vector<16xf32>
        %add3A_183 = arith.constant 1 : i32
        %add3A_184 = arith.addi %mul3A_148, %add3A_183 : i32
        %get3A_185 = arith.index_cast %add3A_184 : i32 to index
        %get3A_186 = arith.constant 16 : index
        %get3A_187 = tpu.vector_load %arg6[%get3A_185, %get3A_186] {strides = array<i32>} : memref<200x64xf32, #tpu.memory_space<vmem>>, vector<1x16xf32>,
        %get3A_188 = vector.shape_cast %get3A_187 : vector<1x16xf32> to vector<16xf32>
        %add3A_189 = arith.addf %add3A_161, %get3A_188 : vector<16xf32>
        %add3A_190 = arith.constant 1 : i32
        %add3A_191 = arith.addi %mul3A_148, %add3A_190 : i32
        %get3A_192 = arith.index_cast %add3A_191 : i32 to index
        %get3A_193 = arith.constant 32 : index
        %get3A_194 = tpu.vector_load %arg6[%get3A_192, %get3A_193] {strides = array<i32>} : memref<200x64xf32, #tpu.memory_space<vmem>>, vector<1x16xf32>,
        %get3A_195 = vector.shape_cast %get3A_194 : vector<1x16xf32> to vector<16xf32>
        %add3A_196 = arith.addf %add3A_168, %get3A_195 : vector<16xf32>
        %add3A_197 = arith.constant 1 : i32
        %add3A_198 = arith.addi %mul3A_148, %add3A_197 : i32
        %get3A_199 = arith.index_cast %add3A_198 : i32 to index
        %get3A_200 = arith.constant 48 : index
        %get3A_201 = tpu.vector_load %arg6[%get3A_199, %get3A_200] {strides = array<i32>} : memref<200x64xf32, #tpu.memory_space<vmem>>, vector<1x16xf32>,
        %get3A_202 = vector.shape_cast %get3A_201 : vector<1x16xf32> to vector<16xf32>
        %add3A_203 = arith.addf %add3A_175, %get3A_202 : vector<16xf32>
        %add3A_204 = arith.constant 2 : i32
        %add3A_205 = arith.addi %mul3A_148, %add3A_204 : i32
        %get3A_206 = arith.index_cast %add3A_205 : i32 to index
        %get3A_207 = arith.constant 0 : index
        %get3A_208 = tpu.vector_load %arg6[%get3A_206, %get3A_207] {strides = array<i32>} : memref<200x64xf32, #tpu.memory_space<vmem>>, vector<1x16xf32>,
        %get3A_209 = vector.shape_cast %get3A_208 : vector<1x16xf32> to vector<16xf32>
        %add3A_210 = arith.addf %add3A_182, %get3A_209 : vector<16xf32>
        %add3A_211 = arith.constant 2 : i32
        %add3A_212 = arith.addi %mul3A_148, %add3A_211 : i32
        %get3A_213 = arith.index_cast %add3A_212 : i32 to index
        %get3A_214 = arith.constant 16 : index
        %get3A_215 = tpu.vector_load %arg6[%get3A_213, %get3A_214] {strides = array<i32>} : memref<200x64xf32, #tpu.memory_space<vmem>>, vector<1x16xf32>,
        %get3A_216 = vector.shape_cast %get3A_215 : vector<1x16xf32> to vector<16xf32>
        %add3A_217 = arith.addf %add3A_189, %get3A_216 : vector<16xf32>
        %add3A_218 = arith.constant 2 : i32
        %add3A_219 = arith.addi %mul3A_148, %add3A_218 : i32
        %get3A_220 = arith.index_cast %add3A_219 : i32 to index
        %get3A_221 = arith.constant 32 : index
        %get3A_222 = tpu.vector_load %arg6[%get3A_220, %get3A_221] {strides = array<i32>} : memref<200x64xf32, #tpu.memory_space<vmem>>, vector<1x16xf32>,
        %get3A_223 = vector.shape_cast %get3A_222 : vector<1x16xf32> to vector<16xf32>
        %add3A_224 = arith.addf %add3A_196, %get3A_223 : vector<16xf32>
        %add3A_225 = arith.constant 2 : i32
        %add3A_226 = arith.addi %mul3A_148, %add3A_225 : i32
        %get3A_227 = arith.index_cast %add3A_226 : i32 to index
        %get3A_228 = arith.constant 48 : index
        %get3A_229 = tpu.vector_load %arg6[%get3A_227, %get3A_228] {strides = array<i32>} : memref<200x64xf32, #tpu.memory_space<vmem>>, vector<1x16xf32>,
        %get3A_230 = vector.shape_cast %get3A_229 : vector<1x16xf32> to vector<16xf32>
        %add3A_231 = arith.addf %add3A_203, %get3A_230 : vector<16xf32>
        %add3A_232 = arith.constant 3 : i32
        %add3A_233 = arith.addi %mul3A_148, %add3A_232 : i32
        %get3A_234 = arith.index_cast %add3A_233 : i32 to index
        %get3A_235 = arith.constant 0 : index
        %get3A_236 = tpu.vector_load %arg6[%get3A_234, %get3A_235] {strides = array<i32>} : memref<200x64xf32, #tpu.memory_space<vmem>>, vector<1x16xf32>,
        %get3A_237 = vector.shape_cast %get3A_236 : vector<1x16xf32> to vector<16xf32>
        %add3A_238 = arith.addf %add3A_210, %get3A_237 : vector<16xf32>
        %add3A_239 = arith.constant 3 : i32
        %add3A_240 = arith.addi %mul3A_148, %add3A_239 : i32
        %get3A_241 = arith.index_cast %add3A_240 : i32 to index
        %get3A_242 = arith.constant 16 : index
        %get3A_243 = tpu.vector_load %arg6[%get3A_241, %get3A_242] {strides = array<i32>} : memref<200x64xf32, #tpu.memory_space<vmem>>, vector<1x16xf32>,
        %get3A_244 = vector.shape_cast %get3A_243 : vector<1x16xf32> to vector<16xf32>
        %add3A_245 = arith.addf %add3A_217, %get3A_244 : vector<16xf32>
        %add3A_246 = arith.constant 3 : i32
        %add3A_247 = arith.addi %mul3A_148, %add3A_246 : i32
        %get3A_248 = arith.index_cast %add3A_247 : i32 to index
        %get3A_249 = arith.constant 32 : index
        %get3A_250 = tpu.vector_load %arg6[%get3A_248, %get3A_249] {strides = array<i32>} : memref<200x64xf32, #tpu.memory_space<vmem>>, vector<1x16xf32>,
        %get3A_251 = vector.shape_cast %get3A_250 : vector<1x16xf32> to vector<16xf32>
        %add3A_252 = arith.addf %add3A_224, %get3A_251 : vector<16xf32>
        %add3A_253 = arith.constant 3 : i32
        %add3A_254 = arith.addi %mul3A_148, %add3A_253 : i32
        %get3A_255 = arith.index_cast %add3A_254 : i32 to index
        %get3A_256 = arith.constant 48 : index
        %get3A_257 = tpu.vector_load %arg6[%get3A_255, %get3A_256] {strides = array<i32>} : memref<200x64xf32, #tpu.memory_space<vmem>>, vector<1x16xf32>,
        %get3A_258 = vector.shape_cast %get3A_257 : vector<1x16xf32> to vector<16xf32>
        %add3A_259 = arith.addf %add3A_231, %get3A_258 : vector<16xf32>
        scf.yield %add3A_238, %add3A_245, %add3A_252, %add3A_259 : vector<16xf32>, vector<16xf32>, vector<16xf32>, vector<16xf32>
      }
      %scan3A_67 = arith.constant 50 : i32
      %swap3A = arith.index_cast %mul3A_34 : i32 to index
      %swap3A_68 = arith.constant 0 : index
      %swap3A_69 = tpu.vector_load %arg8[%swap3A, %swap3A_68] {strides = array<i32>} : memref<128x64xf32, #tpu.memory_space<vmem>>, vector<1x16xf32>,
      %swap3A_70 = vector.shape_cast %swap3A_69 : vector<1x16xf32> to vector<16xf32>
      %swap3A_71 = vector.shape_cast %scan3A_66#0 : vector<16xf32> to vector<1x16xf32>
      tpu.vector_store %arg8[%swap3A, %swap3A_68], %swap3A_71 {strides = array<i32>} : memref<128x64xf32, #tpu.memory_space<vmem>>, vector<1x16xf32>,
      %swap3A_72 = arith.index_cast %mul3A_34 : i32 to index
      %swap3A_73 = arith.constant 16 : index
      %swap3A_74 = tpu.vector_load %arg8[%swap3A_72, %swap3A_73] {strides = array<i32>} : memref<128x64xf32, #tpu.memory_space<vmem>>, vector<1x16xf32>,
      %swap3A_75 = vector.shape_cast %swap3A_74 : vector<1x16xf32> to vector<16xf32>
      %swap3A_76 = vector.shape_cast %scan3A_66#1 : vector<16xf32> to vector<1x16xf32>
      tpu.vector_store %arg8[%swap3A_72, %swap3A_73], %swap3A_76 {strides = array<i32>} : memref<128x64xf32, #tpu.memory_space<vmem>>, vector<1x16xf32>,
      %swap3A_77 = arith.index_cast %mul3A_34 : i32 to index
      %swap3A_78 = arith.constant 32 : index
      %swap3A_79 = tpu.vector_load %arg8[%swap3A_77, %swap3A_78] {strides = array<i32>} : memref<128x64xf32, #tpu.memory_space<vmem>>, vector<1x16xf32>,
      %swap3A_80 = vector.shape_cast %swap3A_79 : vector<1x16xf32> to vector<16xf32>
      %swap3A_81 = vector.shape_cast %scan3A_66#2 : vector<16xf32> to vector<1x16xf32>
      tpu.vector_store %arg8[%swap3A_77, %swap3A_78], %swap3A_81 {strides = array<i32>} : memref<128x64xf32, #tpu.memory_space<vmem>>, vector<1x16xf32>,
      %swap3A_82 = arith.index_cast %mul3A_34 : i32 to index
      %swap3A_83 = arith.constant 48 : index
      %swap3A_84 = tpu.vector_load %arg8[%swap3A_82, %swap3A_83] {strides = array<i32>} : memref<128x64xf32, #tpu.memory_space<vmem>>, vector<1x16xf32>,
      %swap3A_85 = vector.shape_cast %swap3A_84 : vector<1x16xf32> to vector<16xf32>
      %swap3A_86 = vector.shape_cast %scan3A_66#3 : vector<16xf32> to vector<1x16xf32>
      tpu.vector_store %arg8[%swap3A_82, %swap3A_83], %swap3A_86 {strides = array<i32>} : memref<128x64xf32, #tpu.memory_space<vmem>>, vector<1x16xf32>,
      %add3A_87 = arith.constant 2 : i32
      %add3A_88 = arith.addi %mul3A_34, %add3A_87 : i32
      %min3A = arith.constant 127 : i32
      %min3A_89 = arith.minsi %add3A_88, %min3A : i32
      %dma_start3A_90 = arith.constant 0 : i32
      %dma_start3A_91 = arith.constant 0 : i32
      %dma_start3A_92 = tpu.memref_slice %arg6[%dma_start3A_90, %dma_start3A_91] : memref<200x64xf32, #tpu.memory_space<vmem>> -> memref<104x64xf32, #tpu.memory_space<vmem>>
      %dma_start3A_93 = arith.constant 0 : i32
      %dma_start3A_94 = tpu.memref_slice %arg5[%min3A_89, %dma_start3A_93] : memref<128x200xi32, #tpu.memory_space<vmem>> -> memref<1x104xi32, #tpu.memory_space<vmem>>
      %dma_start3A_95 = tpu.memref_squeeze %dma_start3A_94 : memref<1x104xi32, #tpu.memory_space<vmem>> -> memref<104xi32, #tpu.memory_space<vmem>>
      %dma_start3A_96 = arith.constant 0 : i32
      %dma_start3A_97 = arith.constant 0 : i32
      %dma_start3A_98 = tpu.memref_slice %arg3[%dma_start3A_96, %dma_start3A_97] : memref<2000000x64xf32, #tpu.memory_space<hbm>> -> memref<2000000x64xf32, #tpu.memory_space<hbm>>
      tpu.enqueue_indirect_dma source(%dma_start3A_98 : memref<2000000x64xf32, #tpu.memory_space<hbm>>) target(%dma_start3A_92 : memref<104x64xf32, #tpu.memory_space<vmem>>) offsets(%dma_start3A_95 : memref<104xi32, #tpu.memory_space<vmem>>) semaphore(%arg9 : memref<!tpu.dma_semaphore, #tpu.memory_space<semaphore_mem>>)
      %dma_start3A_99 = arith.constant 104 : i32
      %dma_start3A_100 = arith.constant 0 : i32
      %dma_start3A_101 = tpu.memref_slice %arg6[%dma_start3A_99, %dma_start3A_100] : memref<200x64xf32, #tpu.memory_space<vmem>> -> memref<96x64xf32, #tpu.memory_space<vmem>>
      %dma_start3A_102 = arith.constant 104 : i32
      %dma_start3A_103 = tpu.memref_slice %arg5[%min3A_89, %dma_start3A_102] : memref<128x200xi32, #tpu.memory_space<vmem>> -> memref<1x96xi32, #tpu.memory_space<vmem>>
      %dma_start3A_104 = tpu.memref_squeeze %dma_start3A_103 : memref<1x96xi32, #tpu.memory_space<vmem>> -> memref<96xi32, #tpu.memory_space<vmem>>
      %dma_start3A_105 = arith.constant 0 : i32
      %dma_start3A_106 = arith.constant 0 : i32
      %dma_start3A_107 = tpu.memref_slice %arg3[%dma_start3A_105, %dma_start3A_106] : memref<2000000x64xf32, #tpu.memory_space<hbm>> -> memref<2000000x64xf32, #tpu.memory_space<hbm>>
      tpu.enqueue_indirect_dma source(%dma_start3A_107 : memref<2000000x64xf32, #tpu.memory_space<hbm>>) target(%dma_start3A_101 : memref<96x64xf32, #tpu.memory_space<vmem>>) offsets(%dma_start3A_104 : memref<96xi32, #tpu.memory_space<vmem>>) semaphore(%arg9 : memref<!tpu.dma_semaphore, #tpu.memory_space<semaphore_mem>>)
      %dma_wait3A_108 = arith.constant 0 : i32
      %dma_wait3A_109 = arith.constant 0 : i32
      %dma_wait3A_110 = tpu.memref_slice %arg3[%dma_wait3A_108, %dma_wait3A_109] : memref<2000000x64xf32, #tpu.memory_space<hbm>> -> memref<200x64xf32, #tpu.memory_space<hbm>>
      %dma_wait3A_111 = arith.constant 0 : i32
      %dma_wait3A_112 = arith.constant 0 : i32
      %dma_wait3A_113 = tpu.memref_slice %arg3[%dma_wait3A_111, %dma_wait3A_112] : memref<2000000x64xf32, #tpu.memory_space<hbm>> -> memref<200x64xf32, #tpu.memory_space<hbm>>
      tpu.wait_dma2 semaphore(%arg10 : memref<!tpu.dma_semaphore, #tpu.memory_space<semaphore_mem>>) src(%dma_wait3A_113 : memref<200x64xf32, #tpu.memory_space<hbm>>) dst(%arg7 : memref<200x64xf32, #tpu.memory_space<vmem>>)
      %broadcast_in_dim3A_114 = arith.constant 0.000000e+00 : f32
      %broadcast_in_dim3A_115 = vector.broadcast %broadcast_in_dim3A_114 : f32 to vector<16xf32>
      %scan3A_116 = arith.constant 0 : i32
      %scan3A_117 = arith.constant 50 : i32
      %scan3A_118 = arith.addi %scan3A_116, %scan3A_117 : i32
      %scan3A_119 = arith.constant 1 : i32
      %scan3A_120:4 = scf.for %scan3A_142 = %scan3A_116 to %scan3A_118 step %scan3A_119 iter_args(%scan3A_143 = %broadcast_in_dim3A_115, %scan3A_144 = %broadcast_in_dim3A_115, %scan3A_145 = %broadcast_in_dim3A_115, %scan3A_146 = %broadcast_in_dim3A_115) -> (vector<16xf32>, vector<16xf32>, vector<16xf32>, vector<16xf32>)  : i32 {
        %mul3A_147 = arith.constant 4 : i32
        %mul3A_148 = arith.muli %scan3A_142, %mul3A_147 : i32
        %add3A_149 = arith.constant 0 : i32
        %add3A_150 = arith.addi %mul3A_148, %add3A_149 : i32
        %get3A = arith.index_cast %add3A_150 : i32 to index
        %get3A_151 = arith.constant 0 : index
        %get3A_152 = tpu.vector_load %arg7[%get3A, %get3A_151] {strides = array<i32>} : memref<200x64xf32, #tpu.memory_space<vmem>>, vector<1x16xf32>,
        %get3A_153 = vector.shape_cast %get3A_152 : vector<1x16xf32> to vector<16xf32>
        %add3A_154 = arith.addf %scan3A_143, %get3A_153 : vector<16xf32>
        %add3A_155 = arith.constant 0 : i32
        %add3A_156 = arith.addi %mul3A_148, %add3A_155 : i32
        %get3A_157 = arith.index_cast %add3A_156 : i32 to index
        %get3A_158 = arith.constant 16 : index
        %get3A_159 = tpu.vector_load %arg7[%get3A_157, %get3A_158] {strides = array<i32>} : memref<200x64xf32, #tpu.memory_space<vmem>>, vector<1x16xf32>,
        %get3A_160 = vector.shape_cast %get3A_159 : vector<1x16xf32> to vector<16xf32>
        %add3A_161 = arith.addf %scan3A_144, %get3A_160 : vector<16xf32>
        %add3A_162 = arith.constant 0 : i32
        %add3A_163 = arith.addi %mul3A_148, %add3A_162 : i32
        %get3A_164 = arith.index_cast %add3A_163 : i32 to index
        %get3A_165 = arith.constant 32 : index
        %get3A_166 = tpu.vector_load %arg7[%get3A_164, %get3A_165] {strides = array<i32>} : memref<200x64xf32, #tpu.memory_space<vmem>>, vector<1x16xf32>,
        %get3A_167 = vector.shape_cast %get3A_166 : vector<1x16xf32> to vector<16xf32>
        %add3A_168 = arith.addf %scan3A_145, %get3A_167 : vector<16xf32>
        %add3A_169 = arith.constant 0 : i32
        %add3A_170 = arith.addi %mul3A_148, %add3A_169 : i32
        %get3A_171 = arith.index_cast %add3A_170 : i32 to index
        %get3A_172 = arith.constant 48 : index
        %get3A_173 = tpu.vector_load %arg7[%get3A_171, %get3A_172] {strides = array<i32>} : memref<200x64xf32, #tpu.memory_space<vmem>>, vector<1x16xf32>,
        %get3A_174 = vector.shape_cast %get3A_173 : vector<1x16xf32> to vector<16xf32>
        %add3A_175 = arith.addf %scan3A_146, %get3A_174 : vector<16xf32>
        %add3A_176 = arith.constant 1 : i32
        %add3A_177 = arith.addi %mul3A_148, %add3A_176 : i32
        %get3A_178 = arith.index_cast %add3A_177 : i32 to index
        %get3A_179 = arith.constant 0 : index
        %get3A_180 = tpu.vector_load %arg7[%get3A_178, %get3A_179] {strides = array<i32>} : memref<200x64xf32, #tpu.memory_space<vmem>>, vector<1x16xf32>,
        %get3A_181 = vector.shape_cast %get3A_180 : vector<1x16xf32> to vector<16xf32>
        %add3A_182 = arith.addf %add3A_154, %get3A_181 : vector<16xf32>
        %add3A_183 = arith.constant 1 : i32
        %add3A_184 = arith.addi %mul3A_148, %add3A_183 : i32
        %get3A_185 = arith.index_cast %add3A_184 : i32 to index
        %get3A_186 = arith.constant 16 : index
        %get3A_187 = tpu.vector_load %arg7[%get3A_185, %get3A_186] {strides = array<i32>} : memref<200x64xf32, #tpu.memory_space<vmem>>, vector<1x16xf32>,
        %get3A_188 = vector.shape_cast %get3A_187 : vector<1x16xf32> to vector<16xf32>
        %add3A_189 = arith.addf %add3A_161, %get3A_188 : vector<16xf32>
        %add3A_190 = arith.constant 1 : i32
        %add3A_191 = arith.addi %mul3A_148, %add3A_190 : i32
        %get3A_192 = arith.index_cast %add3A_191 : i32 to index
        %get3A_193 = arith.constant 32 : index
        %get3A_194 = tpu.vector_load %arg7[%get3A_192, %get3A_193] {strides = array<i32>} : memref<200x64xf32, #tpu.memory_space<vmem>>, vector<1x16xf32>,
        %get3A_195 = vector.shape_cast %get3A_194 : vector<1x16xf32> to vector<16xf32>
        %add3A_196 = arith.addf %add3A_168, %get3A_195 : vector<16xf32>
        %add3A_197 = arith.constant 1 : i32
        %add3A_198 = arith.addi %mul3A_148, %add3A_197 : i32
        %get3A_199 = arith.index_cast %add3A_198 : i32 to index
        %get3A_200 = arith.constant 48 : index
        %get3A_201 = tpu.vector_load %arg7[%get3A_199, %get3A_200] {strides = array<i32>} : memref<200x64xf32, #tpu.memory_space<vmem>>, vector<1x16xf32>,
        %get3A_202 = vector.shape_cast %get3A_201 : vector<1x16xf32> to vector<16xf32>
        %add3A_203 = arith.addf %add3A_175, %get3A_202 : vector<16xf32>
        %add3A_204 = arith.constant 2 : i32
        %add3A_205 = arith.addi %mul3A_148, %add3A_204 : i32
        %get3A_206 = arith.index_cast %add3A_205 : i32 to index
        %get3A_207 = arith.constant 0 : index
        %get3A_208 = tpu.vector_load %arg7[%get3A_206, %get3A_207] {strides = array<i32>} : memref<200x64xf32, #tpu.memory_space<vmem>>, vector<1x16xf32>,
        %get3A_209 = vector.shape_cast %get3A_208 : vector<1x16xf32> to vector<16xf32>
        %add3A_210 = arith.addf %add3A_182, %get3A_209 : vector<16xf32>
        %add3A_211 = arith.constant 2 : i32
        %add3A_212 = arith.addi %mul3A_148, %add3A_211 : i32
        %get3A_213 = arith.index_cast %add3A_212 : i32 to index
        %get3A_214 = arith.constant 16 : index
        %get3A_215 = tpu.vector_load %arg7[%get3A_213, %get3A_214] {strides = array<i32>} : memref<200x64xf32, #tpu.memory_space<vmem>>, vector<1x16xf32>,
        %get3A_216 = vector.shape_cast %get3A_215 : vector<1x16xf32> to vector<16xf32>
        %add3A_217 = arith.addf %add3A_189, %get3A_216 : vector<16xf32>
        %add3A_218 = arith.constant 2 : i32
        %add3A_219 = arith.addi %mul3A_148, %add3A_218 : i32
        %get3A_220 = arith.index_cast %add3A_219 : i32 to index
        %get3A_221 = arith.constant 32 : index
        %get3A_222 = tpu.vector_load %arg7[%get3A_220, %get3A_221] {strides = array<i32>} : memref<200x64xf32, #tpu.memory_space<vmem>>, vector<1x16xf32>,
        %get3A_223 = vector.shape_cast %get3A_222 : vector<1x16xf32> to vector<16xf32>
        %add3A_224 = arith.addf %add3A_196, %get3A_223 : vector<16xf32>
        %add3A_225 = arith.constant 2 : i32
        %add3A_226 = arith.addi %mul3A_148, %add3A_225 : i32
        %get3A_227 = arith.index_cast %add3A_226 : i32 to index
        %get3A_228 = arith.constant 48 : index
        %get3A_229 = tpu.vector_load %arg7[%get3A_227, %get3A_228] {strides = array<i32>} : memref<200x64xf32, #tpu.memory_space<vmem>>, vector<1x16xf32>,
        %get3A_230 = vector.shape_cast %get3A_229 : vector<1x16xf32> to vector<16xf32>
        %add3A_231 = arith.addf %add3A_203, %get3A_230 : vector<16xf32>
        %add3A_232 = arith.constant 3 : i32
        %add3A_233 = arith.addi %mul3A_148, %add3A_232 : i32
        %get3A_234 = arith.index_cast %add3A_233 : i32 to index
        %get3A_235 = arith.constant 0 : index
        %get3A_236 = tpu.vector_load %arg7[%get3A_234, %get3A_235] {strides = array<i32>} : memref<200x64xf32, #tpu.memory_space<vmem>>, vector<1x16xf32>,
        %get3A_237 = vector.shape_cast %get3A_236 : vector<1x16xf32> to vector<16xf32>
        %add3A_238 = arith.addf %add3A_210, %get3A_237 : vector<16xf32>
        %add3A_239 = arith.constant 3 : i32
        %add3A_240 = arith.addi %mul3A_148, %add3A_239 : i32
        %get3A_241 = arith.index_cast %add3A_240 : i32 to index
        %get3A_242 = arith.constant 16 : index
        %get3A_243 = tpu.vector_load %arg7[%get3A_241, %get3A_242] {strides = array<i32>} : memref<200x64xf32, #tpu.memory_space<vmem>>, vector<1x16xf32>,
        %get3A_244 = vector.shape_cast %get3A_243 : vector<1x16xf32> to vector<16xf32>
        %add3A_245 = arith.addf %add3A_217, %get3A_244 : vector<16xf32>
        %add3A_246 = arith.constant 3 : i32
        %add3A_247 = arith.addi %mul3A_148, %add3A_246 : i32
        %get3A_248 = arith.index_cast %add3A_247 : i32 to index
        %get3A_249 = arith.constant 32 : index
        %get3A_250 = tpu.vector_load %arg7[%get3A_248, %get3A_249] {strides = array<i32>} : memref<200x64xf32, #tpu.memory_space<vmem>>, vector<1x16xf32>,
        %get3A_251 = vector.shape_cast %get3A_250 : vector<1x16xf32> to vector<16xf32>
        %add3A_252 = arith.addf %add3A_224, %get3A_251 : vector<16xf32>
        %add3A_253 = arith.constant 3 : i32
        %add3A_254 = arith.addi %mul3A_148, %add3A_253 : i32
        %get3A_255 = arith.index_cast %add3A_254 : i32 to index
        %get3A_256 = arith.constant 48 : index
        %get3A_257 = tpu.vector_load %arg7[%get3A_255, %get3A_256] {strides = array<i32>} : memref<200x64xf32, #tpu.memory_space<vmem>>, vector<1x16xf32>,
        %get3A_258 = vector.shape_cast %get3A_257 : vector<1x16xf32> to vector<16xf32>
        %add3A_259 = arith.addf %add3A_231, %get3A_258 : vector<16xf32>
        scf.yield %add3A_238, %add3A_245, %add3A_252, %add3A_259 : vector<16xf32>, vector<16xf32>, vector<16xf32>, vector<16xf32>
      }
      %scan3A_121 = arith.constant 50 : i32
      %swap3A_122 = arith.index_cast %add3A_36 : i32 to index
      %swap3A_123 = arith.constant 0 : index
      %swap3A_124 = tpu.vector_load %arg8[%swap3A_122, %swap3A_123] {strides = array<i32>} : memref<128x64xf32, #tpu.memory_space<vmem>>, vector<1x16xf32>,
      %swap3A_125 = vector.shape_cast %swap3A_124 : vector<1x16xf32> to vector<16xf32>
      %swap3A_126 = vector.shape_cast %scan3A_120#0 : vector<16xf32> to vector<1x16xf32>
      tpu.vector_store %arg8[%swap3A_122, %swap3A_123], %swap3A_126 {strides = array<i32>} : memref<128x64xf32, #tpu.memory_space<vmem>>, vector<1x16xf32>,
      %swap3A_127 = arith.index_cast %add3A_36 : i32 to index
      %swap3A_128 = arith.constant 16 : index
      %swap3A_129 = tpu.vector_load %arg8[%swap3A_127, %swap3A_128] {strides = array<i32>} : memref<128x64xf32, #tpu.memory_space<vmem>>, vector<1x16xf32>,
      %swap3A_130 = vector.shape_cast %swap3A_129 : vector<1x16xf32> to vector<16xf32>
      %swap3A_131 = vector.shape_cast %scan3A_120#1 : vector<16xf32> to vector<1x16xf32>
      tpu.vector_store %arg8[%swap3A_127, %swap3A_128], %swap3A_131 {strides = array<i32>} : memref<128x64xf32, #tpu.memory_space<vmem>>, vector<1x16xf32>,
      %swap3A_132 = arith.index_cast %add3A_36 : i32 to index
      %swap3A_133 = arith.constant 32 : index
      %swap3A_134 = tpu.vector_load %arg8[%swap3A_132, %swap3A_133] {strides = array<i32>} : memref<128x64xf32, #tpu.memory_space<vmem>>, vector<1x16xf32>,
      %swap3A_135 = vector.shape_cast %swap3A_134 : vector<1x16xf32> to vector<16xf32>
      %swap3A_136 = vector.shape_cast %scan3A_120#2 : vector<16xf32> to vector<1x16xf32>
      tpu.vector_store %arg8[%swap3A_132, %swap3A_133], %swap3A_136 {strides = array<i32>} : memref<128x64xf32, #tpu.memory_space<vmem>>, vector<1x16xf32>,
      %swap3A_137 = arith.index_cast %add3A_36 : i32 to index
      %swap3A_138 = arith.constant 48 : index
      %swap3A_139 = tpu.vector_load %arg8[%swap3A_137, %swap3A_138] {strides = array<i32>} : memref<128x64xf32, #tpu.memory_space<vmem>>, vector<1x16xf32>,
      %swap3A_140 = vector.shape_cast %swap3A_139 : vector<1x16xf32> to vector<16xf32>
      %swap3A_141 = vector.shape_cast %scan3A_120#3 : vector<16xf32> to vector<1x16xf32>
      tpu.vector_store %arg8[%swap3A_137, %swap3A_138], %swap3A_141 {strides = array<i32>} : memref<128x64xf32, #tpu.memory_space<vmem>>, vector<1x16xf32>,
    }
    %scan3A_26 = arith.constant 64 : i32
    %dma_wait3A = arith.constant 0 : i32
    %dma_wait3A_27 = arith.constant 0 : i32
    %dma_wait3A_28 = tpu.memref_slice %arg3[%dma_wait3A, %dma_wait3A_27] : memref<2000000x64xf32, #tpu.memory_space<hbm>> -> memref<200x64xf32, #tpu.memory_space<hbm>>
    %dma_wait3A_29 = arith.constant 0 : i32
    %dma_wait3A_30 = arith.constant 0 : i32
    %dma_wait3A_31 = tpu.memref_slice %arg3[%dma_wait3A_29, %dma_wait3A_30] : memref<2000000x64xf32, #tpu.memory_space<hbm>> -> memref<200x64xf32, #tpu.memory_space<hbm>>
    tpu.wait_dma2 semaphore(%arg9 : memref<!tpu.dma_semaphore, #tpu.memory_space<semaphore_mem>>) src(%dma_wait3A_31 : memref<200x64xf32, #tpu.memory_space<hbm>>) dst(%arg6 : memref<200x64xf32, #tpu.memory_space<vmem>>)
    "tpu.region"() ({
      %run_scoped3A = tpu.sem_alloc : memref<!tpu.dma_semaphore, #tpu.memory_space<semaphore_mem>>
      %dma_start3A_32 = arith.constant 0 : i32
      %dma_start3A_33 = tpu.memref_slice %arg4[%mul3A_2, %dma_start3A_32] : memref<4096x64xf32, #tpu.memory_space<hbm>> -> memref<128x64xf32, #tpu.memory_space<hbm>>
      %dma_start3A_34 = arith.constant 0 : i32
      %dma_start3A_35 = tpu.memref_slice %arg4[%mul3A_2, %dma_start3A_34] : memref<4096x64xf32, #tpu.memory_space<hbm>> -> memref<128x64xf32, #tpu.memory_space<hbm>>
      tpu.enqueue_dma source(%arg8 : memref<128x64xf32, #tpu.memory_space<vmem>>) target(%dma_start3A_35 : memref<128x64xf32, #tpu.memory_space<hbm>>) target_semaphore(%run_scoped3A : memref<!tpu.dma_semaphore, #tpu.memory_space<semaphore_mem>>)
      %dma_wait3A_36 = arith.constant 0 : i32
      %dma_wait3A_37 = tpu.memref_slice %arg4[%mul3A_2, %dma_wait3A_36] : memref<4096x64xf32, #tpu.memory_space<hbm>> -> memref<128x64xf32, #tpu.memory_space<hbm>>
      %dma_wait3A_38 = arith.constant 0 : i32
      %dma_wait3A_39 = tpu.memref_slice %arg4[%mul3A_2, %dma_wait3A_38] : memref<4096x64xf32, #tpu.memory_space<hbm>> -> memref<128x64xf32, #tpu.memory_space<hbm>>
      tpu.wait_dma2 semaphore(%run_scoped3A : memref<!tpu.dma_semaphore, #tpu.memory_space<semaphore_mem>>) src(%arg8 : memref<128x64xf32, #tpu.memory_space<vmem>>) dst(%dma_wait3A_39 : memref<128x64xf32, #tpu.memory_space<hbm>>)
      tpu.yield
    }) : () -> ()
    return
  }
}

module attributes {stable_mosaic.version = 14 : i64} {
  func.func @_pack_body(%arg0: i32, %arg1: memref<64x16384xf32, #tpu.memory_space<vmem>>, %arg2: memref<16384x128xf32, #tpu.memory_space<vmem>>) attributes {dimension_semantics = [#tpu.dimension_semantics<arbitrary>], iteration_bounds = array<i64: 62>, scalar_prefetch = 0 : i64, scratch_operands = 0 : i64, tpu.core_type = #tpu.core_type<tc>, window_params = [{transform_indices = @transform_0, window_bounds = array<i64: 64, 16384>}, {transform_indices = @transform_1, window_bounds = array<i64: 16384, 128>}]} {
    %get3A = arith.constant 0 : index
    %get3A_0 = arith.constant 0 : index
    %get3A_1 = vector.load %arg1[%get3A, %get3A_0] : memref<64x16384xf32, #tpu.memory_space<vmem>>, vector<64x16384xf32>
    %iota3A = tpu.iota {dimensions = array<i32: 0>} : vector<64x64xi32>
    %iota3A_2 = tpu.iota {dimensions = array<i32: 1>} : vector<64x64xi32>
    %eq3A = arith.cmpi eq, %iota3A, %iota3A_2 : vector<64x64xi32>
    %convert_element_type3A = arith.extui %eq3A : vector<64x64xi1> to vector<64x64xi32>
    %convert_element_type3A_3 = arith.sitofp %convert_element_type3A : vector<64x64xi32> to vector<64x64xf32>
    %dot_general3A = arith.constant dense<0.000000e+00> : vector<16384x64xf32>
    %dot_general3A_4 = tpu.matmul %get3A_1, %convert_element_type3A_3, %dot_general3A {dimension_numbers = #tpu.dot_dimension_numbers<[0], [0], [1], [1], [0, 1, 1, 1], [], []>, transpose_lhs_hint = false} : vector<64x16384xf32>, vector<64x64xf32>, vector<16384x64xf32> -> vector<16384x64xf32>
    %swap3A = arith.constant 0 : index
    %swap3A_5 = arith.constant 0 : index
    %swap3A_6 = vector.load %arg2[%swap3A, %swap3A_5] : memref<16384x128xf32, #tpu.memory_space<vmem>>, vector<16384x64xf32>
    tpu.vector_store %arg2[%swap3A, %swap3A_5], %dot_general3A_4 {strides = array<i32>} : memref<16384x128xf32, #tpu.memory_space<vmem>>, vector<16384x64xf32>,
    return
  }
  func.func @transform_0(%arg0: i32) -> (i32, i32) {
    %c0_i32 = arith.constant 0 : i32
    %c0_i32_0 = arith.constant 0 : i32
    return %c0_i32, %arg0 : i32, i32
  }
  func.func @transform_1(%arg0: i32) -> (i32, i32) {
    %c0_i32 = arith.constant 0 : i32
    %c0_i32_0 = arith.constant 0 : i32
    return %arg0, %c0_i32 : i32, i32
  }
}

module attributes {stable_mosaic.version = 14 : i64} {
  func.func @_mm_body(%arg0: i32, %arg1: memref<512x64xf32, #tpu.memory_space<vmem>>, %arg2: memref<64x1000xf32, #tpu.memory_space<vmem>>, %arg3: memref<1000x1xf32, #tpu.memory_space<vmem>>, %arg4: memref<1000x512xf32, #tpu.memory_space<vmem>>) attributes {dimension_semantics = [#tpu.dimension_semantics<arbitrary>], iteration_bounds = array<i64: 8>, scalar_prefetch = 0 : i64, scratch_operands = 0 : i64, tpu.core_type = #tpu.core_type<tc>, window_params = [{transform_indices = @transform_0, window_bounds = array<i64: 512, 64>}, {pipeline_mode = #tpu.pipeline_mode<synchronous>, transform_indices = @transform_1, window_bounds = array<i64: 64, 1000>}, {pipeline_mode = #tpu.pipeline_mode<synchronous>, transform_indices = @transform_2, window_bounds = array<i64: 1000, 1>}, {transform_indices = @transform_3, window_bounds = array<i64: 1000, 512>}]} {
    %get3A = arith.constant 0 : index
    %get3A_0 = arith.constant 0 : index
    %get3A_1 = vector.load %arg1[%get3A, %get3A_0] : memref<512x64xf32, #tpu.memory_space<vmem>>, vector<512x64xf32>
    %mul3A = arith.constant 5.000000e-03 : f32
    %mul3A_2 = vector.broadcast %mul3A : f32 to vector<512x64xf32>
    %mul3A_3 = arith.mulf %get3A_1, %mul3A_2 : vector<512x64xf32>
    %get3A_4 = arith.constant 0 : index
    %get3A_5 = arith.constant 0 : index
    %get3A_6 = vector.load %arg2[%get3A_4, %get3A_5] : memref<64x1000xf32, #tpu.memory_space<vmem>>, vector<64x1000xf32>
    %dot_general3A = arith.constant dense<0.000000e+00> : vector<1000x512xf32>
    %dot_general3A_7 = tpu.matmul %get3A_6, %mul3A_3, %dot_general3A {dimension_numbers = #tpu.dot_dimension_numbers<[0], [1], [1], [0], [0, 1, 1, 0], [], []>, transpose_lhs_hint = false} : vector<64x1000xf32>, vector<512x64xf32>, vector<1000x512xf32> -> vector<1000x512xf32>
    %get3A_8 = arith.constant 0 : index
    %get3A_9 = arith.constant 0 : index
    %get3A_10 = vector.load %arg3[%get3A_8, %get3A_9] : memref<1000x1xf32, #tpu.memory_space<vmem>>, vector<1000x1xf32>
    %add3A = vector.broadcast %get3A_10 : vector<1000x1xf32> to vector<1000x512xf32>
    %add3A_11 = arith.addf %dot_general3A_7, %add3A : vector<1000x512xf32>
    %swap3A = arith.constant 0 : index
    %swap3A_12 = arith.constant 0 : index
    %swap3A_13 = vector.load %arg4[%swap3A, %swap3A_12] : memref<1000x512xf32, #tpu.memory_space<vmem>>, vector<1000x512xf32>
    tpu.vector_store %arg4[%swap3A, %swap3A_12], %add3A_11 {strides = array<i32>} : memref<1000x512xf32, #tpu.memory_space<vmem>>, vector<1000x512xf32>,
    return
  }
  func.func @transform_0(%arg0: i32) -> (i32, i32) {
    %c0_i32 = arith.constant 0 : i32
    %c0_i32_0 = arith.constant 0 : i32
    return %arg0, %c0_i32 : i32, i32
  }
  func.func @transform_1(%arg0: i32) -> (i32, i32) {
    %c0_i32 = arith.constant 0 : i32
    %c0_i32_0 = arith.constant 0 : i32
    %c0_i32_1 = arith.constant 0 : i32
    return %c0_i32, %c0_i32_0 : i32, i32
  }
  func.func @transform_2(%arg0: i32) -> (i32, i32) {
    %c0_i32 = arith.constant 0 : i32
    %c0_i32_0 = arith.constant 0 : i32
    %c0_i32_1 = arith.constant 0 : i32
    return %c0_i32, %c0_i32_0 : i32, i32
  }
  func.func @transform_3(%arg0: i32) -> (i32, i32) {
    %c0_i32 = arith.constant 0 : i32
    %c0_i32_0 = arith.constant 0 : i32
    return %c0_i32, %arg0 : i32, i32
  }
}

</mosaic_0001>

<sc_bundles>
// kernel: kernel.5.cloned.1.call-start
scs
__scs_entry_jumppad:
0x0: {  	(pc) =	sbr.rel $0x88, $3  }
0x1: {  	(tag) =	ssettag $0x0;
	lr =	simm.s32 $0x1  }
0x2: {  	[smem:$0x3F9D] =	sst lr;
	_ =	strace $0xD0000000  }
0x3: {  	_ = 	snop  }
0x4: {  	_ = 	snop  }
0x5: {  	_ = 	snop  }
0x6: {  	_ = 	snop  }
0x7: {  	_ = 	snop  }
__scs_overlays_trampoline_lowered:
0x8: {  	[smem:$0x3FAC] =	sst s0  }
0x9: {  	[smem:$0x3FAD] =	sst s1  }
0xa: {  	[smem:$0x3FAE] =	sst s2  }
0xb: {  	[smem:$0x3FAF] =	sst s3  }
0xc: {  	[smem:$0x3FB0] =	sst s4  }
0xd: {  	[smem:$0x3FB1] =	sst s5  }
0xe: {  	[smem:$0x3FB2] =	sst s6  }
0xf: {  	[smem:$0x3FB3] =	sst s7  }
0x10: {  	[smem:$0x3FB4] =	sst s8  }
0x11: {  	[smem:$0x3FB5] =	sst s9;
	s0 =	simm.s32 @!p0 $0x0  }
0x12: {  	s1 =	sld [smem:$0x3F9B];
	s0 =	simm.s32 @p0 $0x1  }
0x13: {  	[smem:$0x3FB6] =	sst s0;
	s0 =	simm.s32 @!p1 $0x0  }
0x14: {  	s2 =	sld [smem:$0x3F9A];
	s0 =	simm.s32 @p1 $0x1  }
0x15: {  	[smem:$0x3FB7] =	sst s0;
	s0 =	simm.s32 @!p2 $0x0  }
0x16: {  	s3 =	sld [smem:$0x3FDB];
	s0 =	simm.s32 @p2 $0x1  }
0x17: {  	s4 =	simm.s32 $0x1BF5;
	[smem:$0x3FB9] =	sst s0  }
0x18: {  	s0 =	sld [smem:$0x3F9C];
	_ =	swait.ge [sflag:s4], $0x0  }
0x19: {  	s7 =	sld [smem:$0x3F9D]  }
0x1a: {  	s8 =	sadd.s32 $0xFFFFE003, lr  }
0x1b: {  	s9 =	sadd.s32 $0xFFFFFEF7, lr;
	s5 =	simm.s32 $0xFFFFFFFF;
	p2 =	slt.u32 s8, $0xFFFFF086  }
0x1c: {  	p1 =	slt.u32 s9, $0xF7A;
	s5 =	simm.s32 @!p2 $0x0  }
0x1d: {  	s5 =	simm.s32 @p1 $0x1;
	p0 =	seq.s32 s7, s2  }
0x1e: {  	s7 =	smul.u32 @!p0 $0xF7A, s2;
	p2 =	seq.s32 @!p0 s5, $0x0  }
0x1f: {  	s9 =	smul.u32 $0xF7A, s1;
	s8 =	simm.s32 @!p0 $0x1BF5;
	p2 =	por !p2, p0  }
0x20: {  	[sflag:s8] =	ssyncset.s32 @!p0 $0xFFFFF086;
	s6 =	sadd.s32 @!p0 s3, s7;
	s7 =	simm.s32 @!p0 $0x108  }
0x21: {  	s3 =	sadd.s32 s3, s9;
	s6 =	sadd.s32 @!p0 $0x88, s6;
	s7 =	simm.s32 @p2 $0x1082  }
0x22: {  	[simem:s7], [sflag:s8] =	dma.local @!p0 [hbm:s6], $0xF7A  }
0x23: {  	s9 =	sor.u32 $0xD0000000, s2;
	s6 =	simm.s32 $0x108;
	_ =	swait.ge @!p0 [sflag:s8], $0x0  }
0x24: {  	s3 =	sadd.s32 $0x88, s3;
	s6 =	simm.s32 @!p1 $0x1082;
	[sflag:s4] =	ssyncset.s32 $0xFFFFF086  }
0x25: {  	[simem:s6], [sflag:s4] =	dma.local [hbm:s3], $0xF7A  }
0x26: {  	[smem:$0x3F9D] =	sst s1;
	(tag) =	ssettag s2;
	_ =	strace s9  }
0x27: {  	s1 =	sld [smem:$0x3FAD]  }
0x28: {  	s2 =	sld [smem:$0x3FAE]  }
0x29: {  	s4 =	sld [smem:$0x3FB0]  }
0x2a: {  	p0 =	seq.s32 s5, $0x0;
	s5 =	sld [smem:$0x3FB1]  }
0x2b: {  	s6 =	sld [smem:$0x3FB2]  }
0x2c: {  	s7 =	sld [smem:$0x3FB3]  }
0x2d: {  	s3 =	simm.s32 $0x108;
	s8 =	sld [smem:$0x3FB4]  }
0x2e: {  	s3 =	simm.s32 @!p0 $0x1082;
	s9 =	sld [smem:$0x3FB5]  }
0x2f: {  	lr =	sadd.s32 s0, s3;
	s0 =	sld [smem:$0x3FAC]  }
0x30: {  	s3 =	sld [smem:$0x3FAF]  }
0x31: {  	[smem:$0x3FB8] =	sst s10  }
0x32: {  	s10 =	sld [smem:$0x3FB6];
	_ =	sdelay $0x3  }
0x33: {  	p0 =	seq.s32 s10, $0x1;
	s10 =	sld [smem:$0x3FB8];
	_ =	sdelay $0x3  }
0x34: {  	[smem:$0x3FB8] =	sst s10  }
0x35: {  	s10 =	sld [smem:$0x3FB7];
	_ =	sdelay $0x3  }
0x36: {  	p1 =	seq.s32 s10, $0x1;
	s10 =	sld [smem:$0x3FB8];
	_ =	sdelay $0x3  }
0x37: {  	[smem:$0x3FB8] =	sst s10  }
0x38: {  	s10 =	sld [smem:$0x3FB9]  }
0x39: {  	_ = 	snop;
	(pc) =	sbr.ind lr, $3  }
0x3a: {  	_ = 	snop  }
0x3b: {  	_ = 	snop  }
0x3c: {  	p2 =	seq.s32 s10, $0x1;
	s10 =	sld [smem:$0x3FB8]  }
0x3d: {  	_ =	shalt  }
0x3e: {  	_ =	shalt  }
0x3f: {  	_ =	shalt  }
0x40: {  	_ =	shalt  }
0x41: {  	_ =	shalt  }
0x42: {  	_ =	shalt  }
0x43: {  	_ =	shalt  }
0x44: {  	_ =	shalt  }
0x45: {  	_ =	shalt  }
0x46: {  	_ =	shalt  }
0x47: {  	_ =	shalt  }
0x48: {  	_ =	shalt  }
0x49: {  	_ =	shalt  }
0x4a: {  	_ =	shalt  }
0x4b: {  	_ =	shalt  }
0x4c: {  	_ =	shalt  }
0x4d: {  	_ =	shalt  }
0x4e: {  	_ =	shalt  }
0x4f: {  	_ =	shalt  }
0x50: {  	_ =	shalt  }
0x51: {  	_ =	shalt  }
0x52: {  	_ =	shalt  }
0x53: {  	_ =	shalt  }
0x54: {  	_ =	shalt  }
0x55: {  	_ =	shalt  }
0x56: {  	_ =	shalt  }
0x57: {  	_ =	shalt  }
0x58: {  	_ =	shalt  }
0x59: {  	_ =	shalt  }
0x5a: {  	_ =	shalt  }
0x5b: {  	_ =	shalt  }
0x5c: {  	_ =	shalt  }
0x5d: {  	_ =	shalt  }
0x5e: {  	_ =	shalt  }
0x5f: {  	_ =	shalt  }
0x60: {  	_ =	shalt  }
0x61: {  	_ =	shalt  }
0x62: {  	_ =	shalt  }
0x63: {  	_ =	shalt  }
0x64: {  	_ =	shalt  }
0x65: {  	_ =	shalt  }
0x66: {  	_ =	shalt  }
0x67: {  	_ =	shalt  }
0x68: {  	_ =	shalt  }
0x69: {  	_ =	shalt  }
0x6a: {  	_ =	shalt  }
0x6b: {  	_ =	shalt  }
0x6c: {  	_ =	shalt  }
0x6d: {  	_ =	shalt  }
0x6e: {  	_ =	shalt  }
0x6f: {  	_ =	shalt  }
0x70: {  	_ =	shalt  }
0x71: {  	_ =	shalt  }
0x72: {  	_ =	shalt  }
0x73: {  	_ =	shalt  }
0x74: {  	_ =	shalt  }
0x75: {  	_ =	shalt  }
0x76: {  	_ =	shalt  }
0x77: {  	_ =	shalt  }
0x78: {  	_ =	shalt  }
0x79: {  	_ =	shalt  }
0x7a: {  	_ =	shalt  }
0x7b: {  	_ =	shalt  }
0x7c: {  	_ =	shalt  }
0x7d: {  	_ =	shalt  }
0x7e: {  	_ =	shalt  }
0x7f: {  	_ =	shalt  }
0x80: {  	_ =	shalt  }
0x81: {  	_ =	shalt  }
0x82: {  	_ =	shalt  }
0x83: {  	_ =	shalt  }
0x84: {  	_ =	shalt  }
0x85: {  	_ =	shalt  }
0x86: {  	_ =	shalt  }
0x87: {  	_ =	shalt  }
.Lfunc_end0:
.L_simem_size_0:
called_computation_lowered:
.L_overlay_start_0:
0x88: {  	s2 =	sld [smem:$0x3FD9]  }
0x89: {  	s3 =	sld [smem:$0x3FFE];
	_ =	sdelay $0x1  }
0x8a: {  	s1 =	srdreg.scid  }
0x8b: {  	s0 =	sand.u32 $0x1, s1  }
0x8c: {  	s17 =	sshll.u32 s0, $0xA;
	s2 =	sadd.s32 s3, s2  }
0x8d: {  	s2 =	sadd.s32 s2, s17  }
0x8e: {  	[smem:$0x3FC4] =	sst s2  }
0x8f: {  	_ = 	snop  }
0x90: {  	s2 =	sld [smem:$0x3FD0];
	(tm) =	ssettm $0x1  }
0x91: {  	s18 =	sld [smem:$0x3FFB];
	_ =	sdelay $0x3  }
0x92: {  	_ =	strace s18  }
0x93: {  	s3 =	sld [smem:$0x3FFC];
	_ =	sdelay $0x3  }
0x94: {  	_ =	strace s3  }
0x95: {  	s3 =	sld [smem:$0x3FFD];
	_ =	sdelay $0x3  }
0x96: {  	_ =	strace s3  }
0x97: {  	_ =	strace $0x8FFFFFFF  }
0x98: {  	s19 =	sld [smem:$0x3FDB];
	_ =	sdelay $0x1  }
0x99: {  	s4 =	simm.s32 $_scs_section_size  }
0x9a: {  	s5 =	simm.s32 $_size__tile_overlayer_lowered;
	s6 =	simm.s32 $_tile_overlayer_lowered  }
0x9b: {  	s22 =	simm.s32 $0x1BFF;
	s21 =	sshll.u32 s6, $0x1;
	s3 =	sadd.s32 s4, s19  }
0x9c: {  	s7 =	simm.s32 $0x0;
	s20 =	sshll.u32 s5, $0x1;
	s5 =	sadd.s32 s21, s3  }
0x9d: {  	[timem:s7], [sflag:s22] =	dma.local [hbm:s5], s20  }
0x9e: {  	_ =	swait.ge [sflag:s22], s20  }
0x9f: {  	s4 =	ssub.s32 $0x0, s20;
	[sflag:s22] =	ssyncset.done $0x0  }
0xa0: {  	[sflag:s22] =	ssyncadd.s32 s4;
	_ =	sdelay $0x1  }
0xa1: {  	s23 =	simm.s32 $0x1B8B  }
0xa2: {  	_ =	swait.ge [sflag:s23], $0x1  }
0xa3: {  	[sflag:s23] =	ssyncset.done $0x0  }
0xa4: {  	s25 =	simm.s32 $0x1B8E;
	s24 =	sld [smem:$0x3FFE];
	[sflag:s23] =	ssyncadd.s32 $0xFFFFFFFF  }
0xa5: {  	s26 =	simm.s32 $execute0_lowered;
	[smem:$0x3FD2] =	sst s25  }
0xa6: {  	s5 =	sshll.u32 s26, $0x1;
	_ =	strace $0x80000046;
	[dreg:$0x1] =	wrdreg $0xFFFFFFFF  }
0xa7: {  	s28 =	simm.s32 $_size_execute0_lowered;
	s3 =	sadd.s32 s3, s5;
	[dreg:$0x0] =	wrdreg $0x0  }
0xa8: {  	s5 =	sshll.u32 s28, $0x1;
	[dreg:$0x2] =	wrdreg s3  }
0xa9: {  	[dreg:$0x3] =	wrdreg s5  }
0xaa: {  	[dreg:$0x4] =	wrdreg $0xC0  }
0xab: {  	_ =	task [dreg:s7], $0x5FFFF  }
0xac: {  	[dreg:$0x1] =	wrdreg $0xFFFFFFFF  }
0xad: {  	[dreg:$0x0] =	wrdreg $0x60  }
0xae: {  	[dreg:$0x2] =	wrdreg s2  }
0xaf: {  	[dreg:$0x3] =	wrdreg s24  }
0xb0: {  	[dreg:$0x4] =	wrdreg $0x9  }
0xb1: {  	_ =	task.clear_ibuf [dreg:s7], $0x5FFFF;
	_ =	strace $0x90000046  }
0xb2: {  	s29 =	simm.s32 $0x9;
	_ =	strace $0x80000048  }
0xb3: {  	_ =	swait.ge [sflag:s29], $0x1  }
0xb4: {  	[sflag:s29] =	ssyncadd.s32 $0xFFFFFFFF  }
0xb5: {  	_ =	strace $0x90000048  }
0xb6: {  	_ =	sfence  }
0xb7: {  	s30 =	sld [smem:$0x0];
	_ =	sdelay $0x2  }
0xb8: {  	s31 =	sshll.u32 s1, $0xD;
	s1 =	sshrl.u32 s1, $0x2  }
0xb9: {  	s3 =	sand.u32 $0x4000, s31;
	s1 =	sadd.s32 s1, s30  }
0xba: {  	s0 =	sor.u32 s3, s0;
	s1 =	sshll.u32 s1, $0x11  }
0xbb: {  	s0 =	sor.u32 s1, s0  }
0xbc: {  	s0 =	sadd.s32 $0x8F2B, s0  }
0xbd: {  	[sflag:s0] =	ssyncadd.remote.s32 $0x1  }
0xbe: {  	_ =	sfence.sel $0xFFFF  }
0xbf: {  	[dreg:$0x0] =	wrdreg $0xFFFFFFFF;
	(pc) =	sbr.abs _section_cstart, $3  }
0xc0: {  	[dreg:$0x1] =	wrdreg $0xFFFFFFFF  }
0xc1: {  	_ =	task.clear_ibuf [dreg:s7], $0x2FFFF;
	_ =	strace $0x9FFFFFFF  }
0xc2: {  	(tm) =	ssettm $0x7FFFFFFF  }
0xc3: {  	_ =	shalt  }
tec
execute0_lowered:
.L_overlay_start_1:
0x0: {  	(tag) =	ssettag $0x1  }
0x1: {  	s4 =	rddreg [dreg:$0x0]  }
0x2: {  	s5 =	rddreg [dreg:$0x1]  }
0x3: {  	s0 =	rddreg [dreg:$0x2]  }
0x4: {  	s3 =	srdreg.scid;
	s2 =	simm.s32 $0x0;
	s1 =	stileid.u32  }
0x5: {  	s9 =	simm.s32 $0x6400;
	s10 =	simm.s32 $0x60;
	s11 =	simm.s32 $0x7E00  }
0x6: {  	s12 =	simm.s32 $0x9600;
	s13 =	simm.s32 $0xB000;
	s14 =	simm.s32 $0x1  }
0x7: {  	s15 =	simm.s32 $0x2;
	s16 =	simm.s32 $0xC800;
	s3 =	sand.u32 $0x1, s3  }
0x8: {  	[smem:$0x7FF] =	sst s2;
	s6 =	sshll.u32 s1, $0x8;
	s7 =	sshll.u32 s3, $0x7  }
0x9: {  	s17 =	simm.s32 $0x0;
	_ =	strace $0x80000047;
	s6 =	sor.u32 s7, s6  }
0xa: {  	s8 =	ssub.s32 $0x2, s3;
	s7 =	sshll.u32 s6, $0x3;
	s6 =	smul.u32 $0x19, s6  }
0xb: {  	s3 =	sadd.s32 $0x800, s5;
	s31 =	sshrl.u32 s8, $0x1;
	s5 =	sadd.s32 s7, s5  }
0xc: {  	s7 =	ssub.s32 s8, s31;
	s8 =	simm.s32 $0x68;
	s4 =	sadd.s32 s4, s6  }
0xd: {  	s5 =	sadd.s32 $0xF42C00, s5;
	s6 =	smax.u32 s7, $0x1;
	s7 =	simm.s32 $0x3  }
.LBB2_1:
0xe: {  	[tilespmem:s2], [sflag:$0x3] =	stream.linear.gather [hbm4b:s4+s2], $0x6400, $0x38;
	[tilespmem:$0xE800] =	vst v63  }
0xf: {  	_ =	swait.ge [sflag:s7], $0x6400  }
0x10: {  	[sflag:s7] =	ssyncset.done $0x0  }
0x11: {  	[sflag:s7] =	ssyncadd.s32 $0xFFFF9C00  }
0x12: {  	[tilespmem:s9], [sflag:$0x1] =	stream.indirect.gather [hbm4b:s3+s8], $0x40, s2, s8, $0xb8;
	[tilespmem:$0xE800] =	vst v63  }
0x13: {  	s18 =	simm.s32 $0x0  }
0x14: {  	[tilespmem:s11], [sflag:$0x1] =	stream.indirect.gather [hbm4b:s3+s10], $0x40, s8, s10, $0xb8;
	[tilespmem:$0xE800] =	vst v63  }
.LBB2_2:
0x15: {  	s19 =	sshllo.u32 s18, $0x1  }
0x16: {  	s20 =	smul.u32 $0x320, s19;
	_ =	sdelay $0x1  }
0x17: {  	s20 =	sshra.s32 s20, $0x2  }
0x18: {  	[tilespmem:s12], [sflag:$0x2] =	stream.indirect.gather [hbm4b:s3+s8], $0x40, s20, s8, $0xb8;
	[tilespmem:$0xE800] =	vst v63  }
0x19: {  	s20 =	sadd.s32 $0x68, s20  }
0x1a: {  	[tilespmem:s13], [sflag:$0x2] =	stream.indirect.gather [hbm4b:s3+s10], $0x40, s20, s10, $0xb8;
	[tilespmem:$0xE800] =	vst v63  }
0x1b: {  	_ =	swait.ge [sflag:s14], $0x3200  }
0x1c: {  	[sflag:s14] =	ssyncset.done $0x0  }
0x1d: {  	s21 =	simm.s32 $0x0;
	[sflag:s14] =	ssyncadd.s32 $0xFFFFCE00  }
0x1e: {  	v0 =	vld [tilespmem:s21+$0x64C0]  }
0x1f: {  	v1 =	vld [tilespmem:s21+$0x64D0]  }
0x20: {  	v2 =	vld [tilespmem:s21+$0x6480]  }
0x21: {  	v3 =	vld [tilespmem:s21+$0x6490]  }
0x22: {  	v4 =	vld [tilespmem:s21+$0x6440]  }
0x23: {  	v5 =	vld [tilespmem:s21+$0x6450]  }
0x24: {  	v10 =	vld [tilespmem:s21+$0x6400]  }
0x25: {  	v6 =	vimm.f32 $0.0e+00;
	v12 =	vld [tilespmem:s21+$0x6410]  }
0x26: {  	s22 =	simm.s32 $0x400;
	v9 =	vimm.f32 $0.0e+00;
	v8 =	vimm.f32 $0.0e+00;
	v7 =	vimm.f32 $0.0e+00;
	s20 =	sshll.u32 s18, $0x1;
	v11 =	vld [tilespmem:s21+$0x6420]  }
.LBB2_3:
0x27: {  	p0 =	sne.s32 s22, $0xC400;
	v13 =	vld [tilespmem:s21+$0x6430]  }
0x28: {  	v14 =	vld [tilespmem:s21+$0x6460]  }
0x29: {  	v15 =	vld [tilespmem:s21+$0x6470]  }
0x2a: {  	v16 =	vld [tilespmem:s21+$0x64A0]  }
0x2b: {  	v6 =	vadd.f32 v10, v6;
	v9 =	vadd.f32 v12, v9;
	v10 =	vld [tilespmem:s21+$0x64B0]  }
0x2c: {  	v8 =	vadd.f32 v11, v8;
	v7 =	vadd.f32 v13, v7;
	v11 =	vld [tilespmem:s21+$0x64E0]  }
0x2d: {  	v4 =	vadd.f32 v4, v6;
	v5 =	vadd.f32 v5, v9;
	v12 =	vld [tilespmem:s21+$0x64F0];
	s21 =	sshra.s32 s22, $0x2  }
0x2e: {  	v6 =	vadd.f32 v14, v8;
	v13 =	vld [tilespmem:s21+$0x64C0];
	v7 =	vadd.f32 v15, v7  }
0x2f: {  	v4 =	vadd.f32 v2, v4;
	v5 =	vadd.f32 v3, v5;
	v14 =	vld [tilespmem:s21+$0x64D0]  }
0x30: {  	v8 =	vadd.f32 v16, v6;
	v2 =	vld [tilespmem:s21+$0x6480];
	v7 =	vadd.f32 v10, v7  }
0x31: {  	v6 =	vadd.f32 v0, v4;
	v9 =	vadd.f32 v1, v5;
	v3 =	vld [tilespmem:s21+$0x6490]  }
.Ltmp0:
0x32: {  	v8 =	vadd.f32 v11, v8;
	v4 =	vld [tilespmem:s21+$0x6440];
	v7 =	vadd.f32 v12, v7;
	(pc) =	sbr.rel @p0 .LBB2_3-.Ltmp0, $4  }
0x33: {  	v5 =	vld [tilespmem:s21+$0x6450];
	v0 =	vmov v13  }
0x34: {  	v10 =	vld [tilespmem:s21+$0x6400];
	v1 =	vmov v14  }
0x35: {  	v12 =	vld [tilespmem:s21+$0x6410]  }
0x36: {  	s22 =	sadd.s32 $0x400, s22;
	v11 =	vld [tilespmem:s21+$0x6420]  }
0x37: {  	v13 =	vld [tilespmem:s21+$0x6430]  }
0x38: {  	v14 =	vld [tilespmem:s21+$0x6460]  }
0x39: {  	v15 =	vld [tilespmem:s21+$0x6470];
	v6 =	vadd.f32 v10, v6  }
0x3a: {  	v10 =	vld [tilespmem:s21+$0x64A0];
	v9 =	vadd.f32 v12, v9  }
0x3b: {  	v12 =	vld [tilespmem:s21+$0x64B0];
	v8 =	vadd.f32 v11, v8;
	v4 =	vadd.f32 v4, v6  }
0x3c: {  	v6 =	vadd.f32 v13, v7;
	v7 =	vld [tilespmem:s21+$0x64E0];
	v5 =	vadd.f32 v5, v9  }
0x3d: {  	v9 =	vld [tilespmem:s21+$0x64F0];
	v8 =	vadd.f32 v14, v8;
	v2 =	vadd.f32 v2, v4  }
0x3e: {  	v4 =	vadd.f32 v15, v6;
	v3 =	vadd.f32 v3, v5  }
0x3f: {  	s30 =	sshll.u32 s18, $0x7;
	v5 =	vadd.f32 v10, v8;
	v0 =	vadd.f32 v0, v2  }
0x40: {  	s20 =	smin.u32 s20, $0x7D;
	s21 =	sand.u32 $0x3FFFFF80, s30;
	v2 =	vadd.f32 v12, v4;
	v1 =	vadd.f32 v1, v3  }
0x41: {  	s20 =	smul.u32 $0x320, s20;
	v3 =	vadd.f32 v7, v5;
	[tilespmem:s21+$0xC800] =	vst v0  }
0x42: {  	v0 =	vadd.f32 v9, v2;
	[tilespmem:s21+$0xC810] =	vst v1  }
0x43: {  	s20 =	sshrl.u32 s20, $0x2;
	[tilespmem:s21+$0xC820] =	vst v3  }
0x44: {  	s31 =	sadd.s32 $0x190, s20;
	[tilespmem:s21+$0xC830] =	vst v0  }
0x45: {  	[tilespmem:s9], [sflag:$0x1] =	stream.indirect.gather [hbm4b:s3+s8], $0x40, s31, s8, $0xb8;
	[tilespmem:$0xE800] =	vst v63  }
0x46: {  	s20 =	sadd.s32 $0x1F8, s20  }
0x47: {  	[tilespmem:s11], [sflag:$0x1] =	stream.indirect.gather [hbm4b:s3+s10], $0x40, s20, s10, $0xb8;
	[tilespmem:$0xE800] =	vst v63  }
0x48: {  	_ =	swait.ge [sflag:s15], $0x3200  }
0x49: {  	[sflag:s15] =	ssyncset.done $0x0  }
0x4a: {  	s20 =	simm.s32 $0x0;
	[sflag:s15] =	ssyncadd.s32 $0xFFFFCE00  }
0x4b: {  	v0 =	vld [tilespmem:s20+$0x96C0]  }
0x4c: {  	v1 =	vld [tilespmem:s20+$0x96D0]  }
0x4d: {  	v2 =	vld [tilespmem:s20+$0x9680]  }
0x4e: {  	v3 =	vld [tilespmem:s20+$0x9690]  }
0x4f: {  	v4 =	vld [tilespmem:s20+$0x9640]  }
0x50: {  	v5 =	vld [tilespmem:s20+$0x9650]  }
0x51: {  	v10 =	vld [tilespmem:s20+$0x9600]  }
0x52: {  	v6 =	vimm.f32 $0.0e+00;
	v12 =	vld [tilespmem:s20+$0x9610]  }
0x53: {  	v8 =	vimm.f32 $0.0e+00;
	v7 =	vimm.f32 $0.0e+00;
	v9 =	vimm.f32 $0.0e+00;
	s21 =	simm.s32 $0x400;
	v11 =	vld [tilespmem:s20+$0x9620]  }
.LBB2_5:
0x54: {  	p0 =	sne.s32 s21, $0xC400;
	v13 =	vld [tilespmem:s20+$0x9630]  }
0x55: {  	v14 =	vld [tilespmem:s20+$0x9660]  }
0x56: {  	v15 =	vld [tilespmem:s20+$0x9670]  }
0x57: {  	v16 =	vld [tilespmem:s20+$0x96A0]  }
0x58: {  	v6 =	vadd.f32 v10, v6;
	v9 =	vadd.f32 v12, v9;
	v10 =	vld [tilespmem:s20+$0x96B0]  }
0x59: {  	v8 =	vadd.f32 v11, v8;
	v7 =	vadd.f32 v13, v7;
	v11 =	vld [tilespmem:s20+$0x96E0]  }
0x5a: {  	v4 =	vadd.f32 v4, v6;
	v5 =	vadd.f32 v5, v9;
	v12 =	vld [tilespmem:s20+$0x96F0];
	s20 =	sshra.s32 s21, $0x2  }
0x5b: {  	v6 =	vadd.f32 v14, v8;
	v13 =	vld [tilespmem:s20+$0x96C0];
	v7 =	vadd.f32 v15, v7  }
0x5c: {  	v4 =	vadd.f32 v2, v4;
	v5 =	vadd.f32 v3, v5;
	v14 =	vld [tilespmem:s20+$0x96D0]  }
0x5d: {  	v8 =	vadd.f32 v16, v6;
	v2 =	vld [tilespmem:s20+$0x9680];
	v7 =	vadd.f32 v10, v7  }
0x5e: {  	v6 =	vadd.f32 v0, v4;
	v9 =	vadd.f32 v1, v5;
	v3 =	vld [tilespmem:s20+$0x9690]  }
.Ltmp1:
0x5f: {  	v8 =	vadd.f32 v11, v8;
	v4 =	vld [tilespmem:s20+$0x9640];
	v7 =	vadd.f32 v12, v7;
	(pc) =	sbr.rel @p0 .LBB2_5-.Ltmp1, $4  }
0x60: {  	v5 =	vld [tilespmem:s20+$0x9650];
	v0 =	vmov v13  }
0x61: {  	v10 =	vld [tilespmem:s20+$0x9600];
	v1 =	vmov v14  }
0x62: {  	v12 =	vld [tilespmem:s20+$0x9610]  }
0x63: {  	s21 =	sadd.s32 $0x400, s21;
	v11 =	vld [tilespmem:s20+$0x9620]  }
0x64: {  	v13 =	vld [tilespmem:s20+$0x9630]  }
0x65: {  	v14 =	vld [tilespmem:s20+$0x9660]  }
0x66: {  	v15 =	vld [tilespmem:s20+$0x9670];
	v6 =	vadd.f32 v10, v6  }
0x67: {  	v54 =	vld [tilespmem:s20+$0x96A0];
	v9 =	vadd.f32 v12, v9  }
0x68: {  	v55 =	vld [tilespmem:s20+$0x96B0];
	v8 =	vadd.f32 v11, v8;
	v4 =	vadd.f32 v4, v6  }
0x69: {  	v57 =	vld [tilespmem:s20+$0x96E0];
	v56 =	vadd.f32 v13, v7;
	v5 =	vadd.f32 v5, v9  }
0x6a: {  	v58 =	vld [tilespmem:s20+$0x96F0];
	v8 =	vadd.f32 v14, v8;
	v2 =	vadd.f32 v2, v4  }
0x6b: {  	s18 =	sadd.s32 $0x1, s18;
	v59 =	vadd.f32 v15, v56;
	v3 =	vadd.f32 v3, v5  }
0x6c: {  	s19 =	sshll.u32 s19, $0x6;
	p0 =	sne.s32 s18, $0x40;
	v60 =	vadd.f32 v54, v8;
	v0 =	vadd.f32 v0, v2  }
.Ltmp2:
0x6d: {  	s19 =	sand.u32 $0x3FFFFFC0, s19;
	v61 =	vadd.f32 v55, v59;
	v1 =	vadd.f32 v1, v3;
	(pc) =	sbr.rel @p0 .LBB2_2-.Ltmp2, $4  }
0x6e: {  	v62 =	vadd.f32 v57, v60;
	[tilespmem:s19+$0xC800] =	vst v0  }
0x6f: {  	v63 =	vadd.f32 v58, v61;
	[tilespmem:s19+$0xC810] =	vst v1  }
0x70: {  	[tilespmem:s19+$0xC820] =	vst v62  }
0x71: {  	[tilespmem:s19+$0xC830] =	vst v63  }
0x72: {  	_ =	swait.ge [sflag:s14], $0x3200;
	s17 =	sadd.s32 $0x1, s17  }
0x73: {  	[sflag:s14] =	ssyncset.done $0x0;
	p0 =	sne.s32 s17, s6  }
.Ltmp3:
0x74: {  	[sflag:s14] =	ssyncadd.s32 $0xFFFFCE00;
	(pc) =	sbr.rel @p0 .LBB2_1-.Ltmp3, $4  }
0x75: {  	[hbm4b:s5+s2] =	stream.linear.scatter [tilespmem:s16], [sflag:$0x3], $0x2000, $0x38;
	[tilespmem:$0xE800] =	vst v63  }
0x76: {  	_ =	swait.ge [sflag:s7], $0x2000  }
0x77: {  	[sflag:s7] =	ssyncset.done $0x0  }
0x78: {  	[sflag:s7] =	ssyncadd.s32 $0xFFFFE000  }
0x79: {  	_ =	sfence.sel $0x180000  }
0x7a: {  	[bflag:$0x0] =	sbarrier.arrive $0xFFFF  }
0x7b: {  	p0 =	sne.s32 s1, $0x0;
	_ =	strace $0x90000047  }
0x7c: {  	s0 =	sadd.s32 @!p0 $0x100000, s0;
	[bflag:$0x2] =	sbarrier.arrive $0xFFFF  }
0x7d: {  	[sflag:s0] =	ssyncadd.tile.s32 @!p0 $0x1;
	_ =	shalt  }
.Lfunc_end2:
_tile_overlayer_lowered:
.L_overlay_start_2:
0x7e: {  	(tag) =	ssettag $0x2  }
0x7f: {  	s0 =	rddreg [dreg:$0x0];
	s2 =	stileid.u32  }
0x80: {  	s1 =	rddreg [dreg:$0x1];
	p0 =	sne.s32 s2, $0x0  }
0x81: {  	s3 =	rddreg [dreg:$0x2];
	[bflag:$0x3] =	sbarrier.arrive $0xFFFF;
	s2 =	simm.s32 @!p0 $0x1C03  }
0x82: {  	[timem:s3], [sflag:s2] =	dma.local @!p0 [hbm:s0], s1  }
0x83: {  	s0 =	simm.s32 @!p0 $0x3  }
0x84: {  	_ =	swait.ge @!p0 [sflag:s0], s1  }
0x85: {  	s1 =	ssub.s32 @!p0 $0x0, s1;
	[sflag:s0] =	ssyncset.done @!p0 $0x0  }
0x86: {  	[sflag:s0] =	ssyncadd.s32 @!p0 s1  }
0x87: {  	[bflag:$0x3] =	sbarrier.arrive $0xFFFF  }
0x88: {  	_ =	shalt  }

</sc_bundles>
